<compile_context>
chip_gen: v7x
topology: tpu7x:2x2x1
jax: 0.10.2.dev20260603
libtpu: 0.0.44.dev20260713+nightly
codegen_flags: <defaults>
</compile_context>

<pallas_src>
import functools

import jax
import jax.numpy as jnp
from jax import lax
from jax.experimental import pallas as pl
from jax.experimental.pallas import tpu as pltpu
from jax.experimental.pallas import tpu_sc as plsc

VOCAB = 100000
D = 128
P = 20
B = 1024
S = 220
T = S - P
HALF = T // 2

NC = 2
NS = 16
NW = NC * NS
BPW = B // NW
NBUF = 2

_MESH = plsc.VectorSubcoreMesh(
    core_axis_name="c", subcore_axis_name="s", num_cores=NC, num_subcores=NS
)


def _body(wte_hbm, ids_hbm, sp_hbm, out_hbm, idx_v, obuf, sem_g, sem_st):
    wid = lax.axis_index("s") * NC + lax.axis_index("c")

    pltpu.sync_copy(ids_hbm.at[wid], idx_v)
    pltpu.sync_copy(sp_hbm, obuf.at[pl.ds(0, P)])

    @pl.loop(0, BPW)
    def per_batch(j):
        pltpu.sync_copy(wte_hbm.at[idx_v.at[j, 0]], obuf.at[pl.ds(P, HALF)])
        pltpu.sync_copy(wte_hbm.at[idx_v.at[j, 1]], obuf.at[pl.ds(P + HALF, HALF)])
        pltpu.sync_copy(obuf, out_hbm.at[wid * BPW + j])


_sc_call = functools.partial(
    pl.kernel,
    out_type=jax.ShapeDtypeStruct((B, S, D), jnp.float32),
    mesh=_MESH,
    compiler_params=pltpu.CompilerParams(use_tc_tiling_on_sc=False),
    scratch_types=[
        pltpu.VMEM((BPW, 2, HALF), jnp.int32),
        pltpu.VMEM((S, D), jnp.float32),
        pltpu.SemaphoreType.DMA,
        pltpu.SemaphoreType.DMA,
    ],
)(_body)


@jax.jit
def kernel(input_ids, wte, softprompt):
    ids4 = input_ids[:, P:].reshape(NW, BPW, 2, HALF).astype(jnp.int32)
    return _sc_call(wte, ids4, softprompt)

# --- scband reference (transcript-rebuilt; emitter-appended) ---
"""Pipeline reference for scband-prompt-encoder-42597485641862 (READ-ONLY COPY).

The authoritative reference and input builder live on the scoring server;
editing this copy changes nothing except your own understanding.
"""

import jax, jax.numpy as jnp
import numpy as np

VOCAB = 100000
EMBED_DIM = 128
PROMPT_LEN = 20
BATCH = 1024
SEQ_LEN = 220


def setup_inputs(seed: int = 0) -> dict:
    key = jax.random.key(seed)
    k1, k2 = jax.random.split(key)
    input_ids = jax.random.randint(k1, (BATCH, SEQ_LEN), 0, VOCAB, dtype=jnp.int64 if jax.config.jax_enable_x64 else jnp.int32).astype(jnp.int32)
    wte = jax.random.normal(k2, (VOCAB, EMBED_DIM), dtype=jnp.float32) * 0.02
    # softprompt initialized from rows [1000 : 1000+prompt_len] of the table (clone/detach semantics)
    softprompt = wte[1000:1000 + PROMPT_LEN]
    return {"input_ids": input_ids, "wte": wte, "softprompt": softprompt}


def reference(input_ids, wte, softprompt):
    # input_embedding = self.wte(input_ids[:, self.prompt_len:])
    ids = input_ids[:, PROMPT_LEN:]
    input_embedding = jnp.take(wte, ids, axis=0)  # [B, S-P, D]
    # learned_embedding = softprompt.repeat(B, 1, 1)
    learned_embedding = jnp.broadcast_to(softprompt[None, :, :], (input_embedding.shape[0], PROMPT_LEN, EMBED_DIM))
    return jnp.concatenate([learned_embedding, input_embedding], axis=1)

if __name__ == "__main__":
    import jax
    _d = setup_inputs()
    print(jax.jit(kernel)(*tuple(_d.values())))

</pallas_src>

<mosaic_0001>
#map = affine_map<(d0, d1) -> (0, 0)>
#map1 = affine_map<(d0, d1) -> (0, 0, 0, 0)>
#map2 = affine_map<(d0, d1) -> (0, 0, 0)>
module attributes {stable_mosaic.version = 14 : i64} {
  func.func @_body(%arg0: i32, %arg1: i32, %arg2: memref<100000x128xf32, #tpu.memory_space<hbm>>, %arg3: memref<32x32x2x100xi32, #tpu.memory_space<hbm>>, %arg4: memref<20x128xf32, #tpu.memory_space<hbm>>, %arg5: memref<1024x220x128xf32, #tpu.memory_space<hbm>>, %arg6: memref<32x2x100xi32, #tpu.memory_space<vmem>>, %arg7: memref<220x128xf32, #tpu.memory_space<vmem>>, %arg8: memref<!tpu.dma_semaphore, #tpu.memory_space<semaphore_mem>>, %arg9: memref<!tpu.dma_semaphore, #tpu.memory_space<semaphore_mem>>) attributes {dimension_semantics = [#tpu.dimension_semantics<core_parallel>, #tpu.dimension_semantics<subcore_parallel>], iteration_bounds = array<i64: 2, 16>, scalar_prefetch = 0 : i64, scratch_operands = 4 : i64, tpu.core_type = #tpu.core_type<sc_vector_subcore>, window_params = [{transform_indices = #map}, {transform_indices = #map1}, {transform_indices = #map}, {transform_indices = #map2}]} {
    %mul3A = arith.constant 2 : i32
    %mul3A_0 = arith.muli %arg1, %mul3A : i32
    %add3A = arith.addi %mul3A_0, %arg0 : i32
    "tpu.region"() ({
      %run_scoped3A = tpu.sem_alloc : memref<!tpu.dma_semaphore, #tpu.memory_space<semaphore_mem>>
      %dma_start3A = arith.constant 0 : i32
      %dma_start3A_5 = arith.constant 0 : i32
      %dma_start3A_6 = arith.constant 0 : i32
      %dma_start3A_7 = tpu.memref_slice %arg3[%add3A, %dma_start3A, %dma_start3A_5, %dma_start3A_6] : memref<32x32x2x100xi32, #tpu.memory_space<hbm>> -> memref<1x32x2x100xi32, #tpu.memory_space<hbm>>
      %dma_start3A_8 = tpu.memref_squeeze %dma_start3A_7 : memref<1x32x2x100xi32, #tpu.memory_space<hbm>> -> memref<32x2x100xi32, #tpu.memory_space<hbm>>
      %dma_start3A_9 = arith.constant 0 : i32
      %dma_start3A_10 = arith.constant 0 : i32
      %dma_start3A_11 = arith.constant 0 : i32
      %dma_start3A_12 = tpu.memref_slice %arg3[%add3A, %dma_start3A_9, %dma_start3A_10, %dma_start3A_11] : memref<32x32x2x100xi32, #tpu.memory_space<hbm>> -> memref<1x32x2x100xi32, #tpu.memory_space<hbm>>
      %dma_start3A_13 = tpu.memref_squeeze %dma_start3A_12 : memref<1x32x2x100xi32, #tpu.memory_space<hbm>> -> memref<32x2x100xi32, #tpu.memory_space<hbm>>
      tpu.enqueue_dma source(%dma_start3A_13 : memref<32x2x100xi32, #tpu.memory_space<hbm>>) target(%arg6 : memref<32x2x100xi32, #tpu.memory_space<vmem>>) target_semaphore(%run_scoped3A : memref<!tpu.dma_semaphore, #tpu.memory_space<semaphore_mem>>)
      %dma_wait3A = arith.constant 0 : i32
      %dma_wait3A_14 = arith.constant 0 : i32
      %dma_wait3A_15 = arith.constant 0 : i32
      %dma_wait3A_16 = tpu.memref_slice %arg3[%add3A, %dma_wait3A, %dma_wait3A_14, %dma_wait3A_15] : memref<32x32x2x100xi32, #tpu.memory_space<hbm>> -> memref<1x32x2x100xi32, #tpu.memory_space<hbm>>
      %dma_wait3A_17 = tpu.memref_squeeze %dma_wait3A_16 : memref<1x32x2x100xi32, #tpu.memory_space<hbm>> -> memref<32x2x100xi32, #tpu.memory_space<hbm>>
      %dma_wait3A_18 = arith.constant 0 : i32
      %dma_wait3A_19 = arith.constant 0 : i32
      %dma_wait3A_20 = arith.constant 0 : i32
      %dma_wait3A_21 = tpu.memref_slice %arg3[%add3A, %dma_wait3A_18, %dma_wait3A_19, %dma_wait3A_20] : memref<32x32x2x100xi32, #tpu.memory_space<hbm>> -> memref<1x32x2x100xi32, #tpu.memory_space<hbm>>
      %dma_wait3A_22 = tpu.memref_squeeze %dma_wait3A_21 : memref<1x32x2x100xi32, #tpu.memory_space<hbm>> -> memref<32x2x100xi32, #tpu.memory_space<hbm>>
      tpu.wait_dma2 semaphore(%run_scoped3A : memref<!tpu.dma_semaphore, #tpu.memory_space<semaphore_mem>>) src(%dma_wait3A_22 : memref<32x2x100xi32, #tpu.memory_space<hbm>>) dst(%arg6 : memref<32x2x100xi32, #tpu.memory_space<vmem>>)
      tpu.yield
    }) : () -> ()
    "tpu.region"() ({
      %run_scoped3A = tpu.sem_alloc : memref<!tpu.dma_semaphore, #tpu.memory_space<semaphore_mem>>
      %dma_start3A = arith.constant 0 : i32
      %dma_start3A_5 = arith.constant 0 : i32
      %dma_start3A_6 = tpu.memref_slice %arg7[%dma_start3A, %dma_start3A_5] : memref<220x128xf32, #tpu.memory_space<vmem>> -> memref<20x128xf32, #tpu.memory_space<vmem>>
      %dma_start3A_7 = arith.constant 0 : i32
      %dma_start3A_8 = arith.constant 0 : i32
      %dma_start3A_9 = tpu.memref_slice %arg7[%dma_start3A_7, %dma_start3A_8] : memref<220x128xf32, #tpu.memory_space<vmem>> -> memref<20x128xf32, #tpu.memory_space<vmem>>
      tpu.enqueue_dma source(%arg4 : memref<20x128xf32, #tpu.memory_space<hbm>>) target(%dma_start3A_9 : memref<20x128xf32, #tpu.memory_space<vmem>>) target_semaphore(%run_scoped3A : memref<!tpu.dma_semaphore, #tpu.memory_space<semaphore_mem>>)
      %dma_wait3A = arith.constant 0 : i32
      %dma_wait3A_10 = arith.constant 0 : i32
      %dma_wait3A_11 = tpu.memref_slice %arg7[%dma_wait3A, %dma_wait3A_10] : memref<220x128xf32, #tpu.memory_space<vmem>> -> memref<20x128xf32, #tpu.memory_space<vmem>>
      %dma_wait3A_12 = arith.constant 0 : i32
      %dma_wait3A_13 = arith.constant 0 : i32
      %dma_wait3A_14 = tpu.memref_slice %arg7[%dma_wait3A_12, %dma_wait3A_13] : memref<220x128xf32, #tpu.memory_space<vmem>> -> memref<20x128xf32, #tpu.memory_space<vmem>>
      tpu.wait_dma2 semaphore(%run_scoped3A : memref<!tpu.dma_semaphore, #tpu.memory_space<semaphore_mem>>) src(%arg4 : memref<20x128xf32, #tpu.memory_space<hbm>>) dst(%dma_wait3A_14 : memref<20x128xf32, #tpu.memory_space<vmem>>)
      tpu.yield
    }) : () -> ()
    %scan3A = arith.constant 0 : i32
    %scan3A_1 = arith.constant 32 : i32
    %scan3A_2 = arith.addi %scan3A, %scan3A_1 : i32
    %scan3A_3 = arith.constant 1 : i32
    scf.for %scan3A_5 = %scan3A to %scan3A_2 step %scan3A_3  : i32 {
      %mul3A_6 = arith.constant 1 : i32
      %mul3A_7 = arith.muli %scan3A_5, %mul3A_6 : i32
      %add3A_8 = arith.constant 0 : i32
      %add3A_9 = arith.addi %add3A_8, %mul3A_7 : i32
      %run_scoped3A = arith.constant 0 : i32
      "tpu.region"() ({
        %run_scoped3A_14 = tpu.sem_alloc : memref<!tpu.dma_semaphore, #tpu.memory_space<semaphore_mem>>
        %dma_start3A = arith.constant 20 : i32
        %dma_start3A_15 = arith.constant 0 : i32
        %dma_start3A_16 = tpu.memref_slice %arg7[%dma_start3A, %dma_start3A_15] : memref<220x128xf32, #tpu.memory_space<vmem>> -> memref<100x128xf32, #tpu.memory_space<vmem>>
        %dma_start3A_17 = arith.constant 0 : i32
        %dma_start3A_18 = tpu.memref_slice %arg6[%add3A_9, %run_scoped3A, %dma_start3A_17] : memref<32x2x100xi32, #tpu.memory_space<vmem>> -> memref<1x1x100xi32, #tpu.memory_space<vmem>>
        %dma_start3A_19 = tpu.memref_squeeze %dma_start3A_18 : memref<1x1x100xi32, #tpu.memory_space<vmem>> -> memref<100xi32, #tpu.memory_space<vmem>>
        %dma_start3A_20 = arith.constant 0 : i32
        %dma_start3A_21 = arith.constant 0 : i32
        %dma_start3A_22 = tpu.memref_slice %arg2[%dma_start3A_20, %dma_start3A_21] : memref<100000x128xf32, #tpu.memory_space<hbm>> -> memref<100000x128xf32, #tpu.memory_space<hbm>>
        tpu.enqueue_indirect_dma source(%dma_start3A_22 : memref<100000x128xf32, #tpu.memory_space<hbm>>) target(%dma_start3A_16 : memref<100x128xf32, #tpu.memory_space<vmem>>) offsets(%dma_start3A_19 : memref<100xi32, #tpu.memory_space<vmem>>) semaphore(%run_scoped3A_14 : memref<!tpu.dma_semaphore, #tpu.memory_space<semaphore_mem>>)
        %dma_wait3A = arith.constant 20 : i32
        %dma_wait3A_23 = arith.constant 0 : i32
        %dma_wait3A_24 = tpu.memref_slice %arg7[%dma_wait3A, %dma_wait3A_23] : memref<220x128xf32, #tpu.memory_space<vmem>> -> memref<100x128xf32, #tpu.memory_space<vmem>>
        %dma_wait3A_25 = arith.constant 0 : i32
        %dma_wait3A_26 = tpu.memref_slice %arg6[%add3A_9, %run_scoped3A, %dma_wait3A_25] : memref<32x2x100xi32, #tpu.memory_space<vmem>> -> memref<1x1x100xi32, #tpu.memory_space<vmem>>
        %dma_wait3A_27 = tpu.memref_squeeze %dma_wait3A_26 : memref<1x1x100xi32, #tpu.memory_space<vmem>> -> memref<100xi32, #tpu.memory_space<vmem>>
        %dma_wait3A_28 = arith.constant 0 : i32
        %dma_wait3A_29 = arith.constant 0 : i32
        %dma_wait3A_30 = tpu.memref_slice %arg2[%dma_wait3A_28, %dma_wait3A_29] : memref<100000x128xf32, #tpu.memory_space<hbm>> -> memref<100000x128xf32, #tpu.memory_space<hbm>>
        tpu.wait_indirect_dma semaphore(%run_scoped3A_14 : memref<!tpu.dma_semaphore, #tpu.memory_space<semaphore_mem>>) src(%dma_wait3A_30 : memref<100000x128xf32, #tpu.memory_space<hbm>>) dst(%dma_wait3A_24 : memref<100x128xf32, #tpu.memory_space<vmem>>)
        tpu.yield
      }) : () -> ()
      %run_scoped3A_10 = arith.constant 1 : i32
      "tpu.region"() ({
        %run_scoped3A_14 = tpu.sem_alloc : memref<!tpu.dma_semaphore, #tpu.memory_space<semaphore_mem>>
        %dma_start3A = arith.constant 120 : i32
        %dma_start3A_15 = arith.constant 0 : i32
        %dma_start3A_16 = tpu.memref_slice %arg7[%dma_start3A, %dma_start3A_15] : memref<220x128xf32, #tpu.memory_space<vmem>> -> memref<100x128xf32, #tpu.memory_space<vmem>>
        %dma_start3A_17 = arith.constant 0 : i32
        %dma_start3A_18 = tpu.memref_slice %arg6[%add3A_9, %run_scoped3A_10, %dma_start3A_17] : memref<32x2x100xi32, #tpu.memory_space<vmem>> -> memref<1x1x100xi32, #tpu.memory_space<vmem>>
        %dma_start3A_19 = tpu.memref_squeeze %dma_start3A_18 : memref<1x1x100xi32, #tpu.memory_space<vmem>> -> memref<100xi32, #tpu.memory_space<vmem>>
        %dma_start3A_20 = arith.constant 0 : i32
        %dma_start3A_21 = arith.constant 0 : i32
        %dma_start3A_22 = tpu.memref_slice %arg2[%dma_start3A_20, %dma_start3A_21] : memref<100000x128xf32, #tpu.memory_space<hbm>> -> memref<100000x128xf32, #tpu.memory_space<hbm>>
        tpu.enqueue_indirect_dma source(%dma_start3A_22 : memref<100000x128xf32, #tpu.memory_space<hbm>>) target(%dma_start3A_16 : memref<100x128xf32, #tpu.memory_space<vmem>>) offsets(%dma_start3A_19 : memref<100xi32, #tpu.memory_space<vmem>>) semaphore(%run_scoped3A_14 : memref<!tpu.dma_semaphore, #tpu.memory_space<semaphore_mem>>)
        %dma_wait3A = arith.constant 120 : i32
        %dma_wait3A_23 = arith.constant 0 : i32
        %dma_wait3A_24 = tpu.memref_slice %arg7[%dma_wait3A, %dma_wait3A_23] : memref<220x128xf32, #tpu.memory_space<vmem>> -> memref<100x128xf32, #tpu.memory_space<vmem>>
        %dma_wait3A_25 = arith.constant 0 : i32
        %dma_wait3A_26 = tpu.memref_slice %arg6[%add3A_9, %run_scoped3A_10, %dma_wait3A_25] : memref<32x2x100xi32, #tpu.memory_space<vmem>> -> memref<1x1x100xi32, #tpu.memory_space<vmem>>
        %dma_wait3A_27 = tpu.memref_squeeze %dma_wait3A_26 : memref<1x1x100xi32, #tpu.memory_space<vmem>> -> memref<100xi32, #tpu.memory_space<vmem>>
        %dma_wait3A_28 = arith.constant 0 : i32
        %dma_wait3A_29 = arith.constant 0 : i32
        %dma_wait3A_30 = tpu.memref_slice %arg2[%dma_wait3A_28, %dma_wait3A_29] : memref<100000x128xf32, #tpu.memory_space<hbm>> -> memref<100000x128xf32, #tpu.memory_space<hbm>>
        tpu.wait_indirect_dma semaphore(%run_scoped3A_14 : memref<!tpu.dma_semaphore, #tpu.memory_space<semaphore_mem>>) src(%dma_wait3A_30 : memref<100000x128xf32, #tpu.memory_space<hbm>>) dst(%dma_wait3A_24 : memref<100x128xf32, #tpu.memory_space<vmem>>)
        tpu.yield
      }) : () -> ()
      %mul3A_11 = arith.constant 32 : i32
      %mul3A_12 = arith.muli %add3A, %mul3A_11 : i32
      %add3A_13 = arith.addi %mul3A_12, %add3A_9 : i32
      "tpu.region"() ({
        %run_scoped3A_14 = tpu.sem_alloc : memref<!tpu.dma_semaphore, #tpu.memory_space<semaphore_mem>>
        %dma_start3A = arith.constant 0 : i32
        %dma_start3A_15 = arith.constant 0 : i32
        %dma_start3A_16 = tpu.memref_slice %arg5[%add3A_13, %dma_start3A, %dma_start3A_15] : memref<1024x220x128xf32, #tpu.memory_space<hbm>> -> memref<1x220x128xf32, #tpu.memory_space<hbm>>
        %dma_start3A_17 = tpu.memref_squeeze %dma_start3A_16 : memref<1x220x128xf32, #tpu.memory_space<hbm>> -> memref<220x128xf32, #tpu.memory_space<hbm>>
        %dma_start3A_18 = arith.constant 0 : i32
        %dma_start3A_19 = arith.constant 0 : i32
        %dma_start3A_20 = tpu.memref_slice %arg5[%add3A_13, %dma_start3A_18, %dma_start3A_19] : memref<1024x220x128xf32, #tpu.memory_space<hbm>> -> memref<1x220x128xf32, #tpu.memory_space<hbm>>
        %dma_start3A_21 = tpu.memref_squeeze %dma_start3A_20 : memref<1x220x128xf32, #tpu.memory_space<hbm>> -> memref<220x128xf32, #tpu.memory_space<hbm>>
        tpu.enqueue_dma source(%arg7 : memref<220x128xf32, #tpu.memory_space<vmem>>) target(%dma_start3A_21 : memref<220x128xf32, #tpu.memory_space<hbm>>) target_semaphore(%run_scoped3A_14 : memref<!tpu.dma_semaphore, #tpu.memory_space<semaphore_mem>>)
        %dma_wait3A = arith.constant 0 : i32
        %dma_wait3A_22 = arith.constant 0 : i32
        %dma_wait3A_23 = tpu.memref_slice %arg5[%add3A_13, %dma_wait3A, %dma_wait3A_22] : memref<1024x220x128xf32, #tpu.memory_space<hbm>> -> memref<1x220x128xf32, #tpu.memory_space<hbm>>
        %dma_wait3A_24 = tpu.memref_squeeze %dma_wait3A_23 : memref<1x220x128xf32, #tpu.memory_space<hbm>> -> memref<220x128xf32, #tpu.memory_space<hbm>>
        %dma_wait3A_25 = arith.constant 0 : i32
        %dma_wait3A_26 = arith.constant 0 : i32
        %dma_wait3A_27 = tpu.memref_slice %arg5[%add3A_13, %dma_wait3A_25, %dma_wait3A_26] : memref<1024x220x128xf32, #tpu.memory_space<hbm>> -> memref<1x220x128xf32, #tpu.memory_space<hbm>>
        %dma_wait3A_28 = tpu.memref_squeeze %dma_wait3A_27 : memref<1x220x128xf32, #tpu.memory_space<hbm>> -> memref<220x128xf32, #tpu.memory_space<hbm>>
        tpu.wait_dma2 semaphore(%run_scoped3A_14 : memref<!tpu.dma_semaphore, #tpu.memory_space<semaphore_mem>>) src(%arg7 : memref<220x128xf32, #tpu.memory_space<vmem>>) dst(%dma_wait3A_28 : memref<220x128xf32, #tpu.memory_space<hbm>>)
        tpu.yield
      }) : () -> ()
    }
    %scan3A_4 = arith.constant 32 : i32
    return
  }
}

</mosaic_0001>

<sc_bundles>
// kernel: kernel.3.cloned.1.call-start
scs
__scs_entry_jumppad:
0x0: {  	(pc) =	sbr.rel $0x88, $3  }
0x1: {  	(tag) =	ssettag $0x0;
	lr =	simm.s32 $0x1  }
0x2: {  	[smem:$0x3F9E] =	sst lr;
	_ =	strace $0xD0000000  }
0x3: {  	_ = 	snop  }
0x4: {  	_ = 	snop  }
0x5: {  	_ = 	snop  }
0x6: {  	_ = 	snop  }
0x7: {  	_ = 	snop  }
__scs_overlays_trampoline_lowered:
0x8: {  	[smem:$0x3FAD] =	sst s0  }
0x9: {  	[smem:$0x3FAE] =	sst s1  }
0xa: {  	[smem:$0x3FAF] =	sst s2  }
0xb: {  	[smem:$0x3FB0] =	sst s3  }
0xc: {  	[smem:$0x3FB1] =	sst s4  }
0xd: {  	[smem:$0x3FB2] =	sst s5  }
0xe: {  	[smem:$0x3FB3] =	sst s6  }
0xf: {  	[smem:$0x3FB4] =	sst s7  }
0x10: {  	[smem:$0x3FB5] =	sst s8  }
0x11: {  	[smem:$0x3FB6] =	sst s9;
	s0 =	simm.s32 @!p0 $0x0  }
0x12: {  	s1 =	sld [smem:$0x3F9C];
	s0 =	simm.s32 @p0 $0x1  }
0x13: {  	[smem:$0x3FB7] =	sst s0;
	s0 =	simm.s32 @!p1 $0x0  }
0x14: {  	s2 =	sld [smem:$0x3F9B];
	s0 =	simm.s32 @p1 $0x1  }
0x15: {  	[smem:$0x3FB8] =	sst s0;
	s0 =	simm.s32 @!p2 $0x0  }
0x16: {  	s3 =	sld [smem:$0x3FDB];
	s0 =	simm.s32 @p2 $0x1  }
0x17: {  	s4 =	simm.s32 $0x1BF5;
	[smem:$0x3FBA] =	sst s0  }
0x18: {  	s0 =	sld [smem:$0x3F9D];
	_ =	swait.ge [sflag:s4], $0x0  }
0x19: {  	s7 =	sld [smem:$0x3F9E]  }
0x1a: {  	s8 =	sadd.s32 $0xFFFFE003, lr  }
0x1b: {  	s9 =	sadd.s32 $0xFFFFFEF7, lr;
	s5 =	simm.s32 $0xFFFFFFFF;
	p2 =	slt.u32 s8, $0xFFFFF086  }
0x1c: {  	p1 =	slt.u32 s9, $0xF7A;
	s5 =	simm.s32 @!p2 $0x0  }
0x1d: {  	s5 =	simm.s32 @p1 $0x1;
	p0 =	seq.s32 s7, s2  }
0x1e: {  	s7 =	smul.u32 @!p0 $0xF7A, s2;
	p2 =	seq.s32 @!p0 s5, $0x0  }
0x1f: {  	s9 =	smul.u32 $0xF7A, s1;
	s8 =	simm.s32 @!p0 $0x1BF5;
	p2 =	por !p2, p0  }
0x20: {  	[sflag:s8] =	ssyncset.s32 @!p0 $0xFFFFF086;
	s6 =	sadd.s32 @!p0 s3, s7;
	s7 =	simm.s32 @!p0 $0x108  }
0x21: {  	s3 =	sadd.s32 s3, s9;
	s6 =	sadd.s32 @!p0 $0x88, s6;
	s7 =	simm.s32 @p2 $0x1082  }
0x22: {  	[simem:s7], [sflag:s8] =	dma.local @!p0 [hbm:s6], $0xF7A  }
0x23: {  	s9 =	sor.u32 $0xD0000000, s2;
	s6 =	simm.s32 $0x108;
	_ =	swait.ge @!p0 [sflag:s8], $0x0  }
0x24: {  	s3 =	sadd.s32 $0x88, s3;
	s6 =	simm.s32 @!p1 $0x1082;
	[sflag:s4] =	ssyncset.s32 $0xFFFFF086  }
0x25: {  	[simem:s6], [sflag:s4] =	dma.local [hbm:s3], $0xF7A  }
0x26: {  	[smem:$0x3F9E] =	sst s1;
	(tag) =	ssettag s2;
	_ =	strace s9  }
0x27: {  	s1 =	sld [smem:$0x3FAE]  }
0x28: {  	s2 =	sld [smem:$0x3FAF]  }
0x29: {  	s4 =	sld [smem:$0x3FB1]  }
0x2a: {  	p0 =	seq.s32 s5, $0x0;
	s5 =	sld [smem:$0x3FB2]  }
0x2b: {  	s6 =	sld [smem:$0x3FB3]  }
0x2c: {  	s7 =	sld [smem:$0x3FB4]  }
0x2d: {  	s3 =	simm.s32 $0x108;
	s8 =	sld [smem:$0x3FB5]  }
0x2e: {  	s3 =	simm.s32 @!p0 $0x1082;
	s9 =	sld [smem:$0x3FB6]  }
0x2f: {  	lr =	sadd.s32 s0, s3;
	s0 =	sld [smem:$0x3FAD]  }
0x30: {  	s3 =	sld [smem:$0x3FB0]  }
0x31: {  	[smem:$0x3FB9] =	sst s10  }
0x32: {  	s10 =	sld [smem:$0x3FB7];
	_ =	sdelay $0x3  }
0x33: {  	p0 =	seq.s32 s10, $0x1;
	s10 =	sld [smem:$0x3FB9];
	_ =	sdelay $0x3  }
0x34: {  	[smem:$0x3FB9] =	sst s10  }
0x35: {  	s10 =	sld [smem:$0x3FB8];
	_ =	sdelay $0x3  }
0x36: {  	p1 =	seq.s32 s10, $0x1;
	s10 =	sld [smem:$0x3FB9];
	_ =	sdelay $0x3  }
0x37: {  	[smem:$0x3FB9] =	sst s10  }
0x38: {  	s10 =	sld [smem:$0x3FBA]  }
0x39: {  	_ = 	snop;
	(pc) =	sbr.ind lr, $3  }
0x3a: {  	_ = 	snop  }
0x3b: {  	_ = 	snop  }
0x3c: {  	p2 =	seq.s32 s10, $0x1;
	s10 =	sld [smem:$0x3FB9]  }
0x3d: {  	_ =	shalt  }
0x3e: {  	_ =	shalt  }
0x3f: {  	_ =	shalt  }
0x40: {  	_ =	shalt  }
0x41: {  	_ =	shalt  }
0x42: {  	_ =	shalt  }
0x43: {  	_ =	shalt  }
0x44: {  	_ =	shalt  }
0x45: {  	_ =	shalt  }
0x46: {  	_ =	shalt  }
0x47: {  	_ =	shalt  }
0x48: {  	_ =	shalt  }
0x49: {  	_ =	shalt  }
0x4a: {  	_ =	shalt  }
0x4b: {  	_ =	shalt  }
0x4c: {  	_ =	shalt  }
0x4d: {  	_ =	shalt  }
0x4e: {  	_ =	shalt  }
0x4f: {  	_ =	shalt  }
0x50: {  	_ =	shalt  }
0x51: {  	_ =	shalt  }
0x52: {  	_ =	shalt  }
0x53: {  	_ =	shalt  }
0x54: {  	_ =	shalt  }
0x55: {  	_ =	shalt  }
0x56: {  	_ =	shalt  }
0x57: {  	_ =	shalt  }
0x58: {  	_ =	shalt  }
0x59: {  	_ =	shalt  }
0x5a: {  	_ =	shalt  }
0x5b: {  	_ =	shalt  }
0x5c: {  	_ =	shalt  }
0x5d: {  	_ =	shalt  }
0x5e: {  	_ =	shalt  }
0x5f: {  	_ =	shalt  }
0x60: {  	_ =	shalt  }
0x61: {  	_ =	shalt  }
0x62: {  	_ =	shalt  }
0x63: {  	_ =	shalt  }
0x64: {  	_ =	shalt  }
0x65: {  	_ =	shalt  }
0x66: {  	_ =	shalt  }
0x67: {  	_ =	shalt  }
0x68: {  	_ =	shalt  }
0x69: {  	_ =	shalt  }
0x6a: {  	_ =	shalt  }
0x6b: {  	_ =	shalt  }
0x6c: {  	_ =	shalt  }
0x6d: {  	_ =	shalt  }
0x6e: {  	_ =	shalt  }
0x6f: {  	_ =	shalt  }
0x70: {  	_ =	shalt  }
0x71: {  	_ =	shalt  }
0x72: {  	_ =	shalt  }
0x73: {  	_ =	shalt  }
0x74: {  	_ =	shalt  }
0x75: {  	_ =	shalt  }
0x76: {  	_ =	shalt  }
0x77: {  	_ =	shalt  }
0x78: {  	_ =	shalt  }
0x79: {  	_ =	shalt  }
0x7a: {  	_ =	shalt  }
0x7b: {  	_ =	shalt  }
0x7c: {  	_ =	shalt  }
0x7d: {  	_ =	shalt  }
0x7e: {  	_ =	shalt  }
0x7f: {  	_ =	shalt  }
0x80: {  	_ =	shalt  }
0x81: {  	_ =	shalt  }
0x82: {  	_ =	shalt  }
0x83: {  	_ =	shalt  }
0x84: {  	_ =	shalt  }
0x85: {  	_ =	shalt  }
0x86: {  	_ =	shalt  }
0x87: {  	_ =	shalt  }
.Lfunc_end0:
.L_simem_size_0:
called_computation.1_lowered:
.L_overlay_start_0:
0x88: {  	s2 =	sld [smem:$0x3FD9]  }
0x89: {  	s3 =	sld [smem:$0x3FFE];
	_ =	sdelay $0x1  }
0x8a: {  	s1 =	srdreg.scid  }
0x8b: {  	s0 =	sand.u32 $0x1, s1  }
0x8c: {  	s17 =	sshll.u32 s0, $0xA;
	s2 =	sadd.s32 s3, s2  }
0x8d: {  	s2 =	sadd.s32 s2, s17  }
0x8e: {  	[smem:$0x3FC5] =	sst s2  }
0x8f: {  	_ = 	snop  }
0x90: {  	s2 =	sld [smem:$0x3FC8]  }
0x91: {  	s18 =	sld [smem:$0x3FC7]  }
0x92: {  	s4 =	sld [smem:$0x3FD0];
	(tm) =	ssettm $0x1  }
0x93: {  	s5 =	sld [smem:$0x3FFB];
	_ =	sdelay $0x3  }
0x94: {  	_ =	strace s5  }
0x95: {  	s5 =	sld [smem:$0x3FFC];
	_ =	sdelay $0x3  }
0x96: {  	_ =	strace s5  }
0x97: {  	s5 =	sld [smem:$0x3FFD];
	_ =	sdelay $0x3  }
0x98: {  	_ =	strace s5  }
0x99: {  	_ =	strace $0x8FFFFFFF  }
0x9a: {  	s19 =	sld [smem:$0x3FDB];
	_ =	sdelay $0x1  }
0x9b: {  	s6 =	simm.s32 $_scs_section_size  }
0x9c: {  	s7 =	simm.s32 $_size__tile_overlayer_lowered;
	s8 =	simm.s32 $_tile_overlayer_lowered  }
0x9d: {  	s22 =	simm.s32 $0x1BFF;
	s21 =	sshll.u32 s8, $0x1;
	s5 =	sadd.s32 s6, s19  }
0x9e: {  	s9 =	simm.s32 $0x0;
	s20 =	sshll.u32 s7, $0x1;
	s7 =	sadd.s32 s21, s5  }
0x9f: {  	[timem:s9], [sflag:s22] =	dma.local [hbm:s7], s20  }
0xa0: {  	_ =	swait.ge [sflag:s22], s20  }
0xa1: {  	s6 =	ssub.s32 $0x0, s20;
	[sflag:s22] =	ssyncset.done $0x0  }
0xa2: {  	[sflag:s22] =	ssyncadd.s32 s6;
	_ =	sdelay $0x1  }
0xa3: {  	s23 =	simm.s32 $0x1B8B  }
0xa4: {  	_ =	swait.ge [sflag:s23], $0x1  }
0xa5: {  	[sflag:s23] =	ssyncset.done $0x0  }
0xa6: {  	s25 =	simm.s32 $0x1B8E;
	s24 =	sld [smem:$0x3FFE];
	[sflag:s23] =	ssyncadd.s32 $0xFFFFFFFF  }
0xa7: {  	s26 =	simm.s32 $execute0_lowered;
	[smem:$0x3FD2] =	sst s25  }
0xa8: {  	s7 =	sshll.u32 s26, $0x1;
	_ =	strace $0x80000046;
	[dreg:$0x1] =	wrdreg $0xFFFFFFFF  }
0xa9: {  	s28 =	simm.s32 $_size_execute0_lowered;
	s5 =	sadd.s32 s5, s7;
	[dreg:$0x0] =	wrdreg $0x0  }
0xaa: {  	s7 =	sshll.u32 s28, $0x1;
	[dreg:$0x2] =	wrdreg s5  }
0xab: {  	[dreg:$0x3] =	wrdreg s7  }
0xac: {  	[dreg:$0x4] =	wrdreg $0xC0  }
0xad: {  	_ =	task [dreg:s9], $0x5FFFF  }
0xae: {  	[dreg:$0x1] =	wrdreg $0xFFFFFFFF  }
0xaf: {  	[dreg:$0x0] =	wrdreg $0x60  }
0xb0: {  	[dreg:$0x2] =	wrdreg s2  }
0xb1: {  	[dreg:$0x3] =	wrdreg s24  }
0xb2: {  	[dreg:$0x4] =	wrdreg s18  }
0xb3: {  	[dreg:$0x5] =	wrdreg s4  }
0xb4: {  	[dreg:$0x6] =	wrdreg $0x9  }
0xb5: {  	_ =	task.clear_ibuf [dreg:s9], $0x7FFFF;
	_ =	strace $0x90000046  }
0xb6: {  	s29 =	simm.s32 $0x9;
	_ =	strace $0x80000048  }
0xb7: {  	_ =	swait.ge [sflag:s29], $0x1  }
0xb8: {  	[sflag:s29] =	ssyncadd.s32 $0xFFFFFFFF  }
0xb9: {  	_ =	strace $0x90000048  }
0xba: {  	_ =	sfence  }
0xbb: {  	s30 =	sld [smem:$0x0];
	_ =	sdelay $0x2  }
0xbc: {  	s31 =	sshll.u32 s1, $0xD;
	s1 =	sshrl.u32 s1, $0x2  }
0xbd: {  	s3 =	sand.u32 $0x4000, s31;
	s1 =	sadd.s32 s1, s30  }
0xbe: {  	s0 =	sor.u32 s3, s0;
	s1 =	sshll.u32 s1, $0x11  }
0xbf: {  	s0 =	sor.u32 s1, s0  }
0xc0: {  	s0 =	sadd.s32 $0x8F2B, s0  }
0xc1: {  	[sflag:s0] =	ssyncadd.remote.s32 $0x1  }
0xc2: {  	_ =	sfence.sel $0xFFFF  }
0xc3: {  	[dreg:$0x0] =	wrdreg $0xFFFFFFFF;
	(pc) =	sbr.abs _section_cstart, $3  }
0xc4: {  	[dreg:$0x1] =	wrdreg $0xFFFFFFFF  }
0xc5: {  	_ =	task.clear_ibuf [dreg:s9], $0x2FFFF;
	_ =	strace $0x9FFFFFFF  }
0xc6: {  	(tm) =	ssettm $0x7FFFFFFF  }
0xc7: {  	_ =	shalt  }
tec
execute0_lowered:
.L_overlay_start_1:
0x0: {  	(tag) =	ssettag $0x1  }
0x1: {  	s1 =	rddreg [dreg:$0x0]  }
0x2: {  	s5 =	rddreg [dreg:$0x1]  }
0x3: {  	s2 =	srdreg.scid;
	s3 =	rddreg [dreg:$0x2]  }
0x4: {  	s0 =	stileid.u32;
	s7 =	rddreg [dreg:$0x3]  }
0x5: {  	s4 =	simm.s32 $0x0;
	s13 =	simm.s32 $0x0;
	s6 =	sand.u32 $0x1, s2  }
0x6: {  	s30 =	sshll.u32 s0, $0x1;
	s2 =	rddreg [dreg:$0x4];
	s10 =	smul.u32 $0x37000, s0  }
0x7: {  	[smem:$0x7FF] =	sst s4;
	s8 =	sor.u32 s6, s30;
	s12 =	smul.u32 $0x1B800, s6  }
0x8: {  	s9 =	ssub.s32 $0x2, s6;
	_ =	strace $0x80000047;
	s8 =	smul.u32 $0x340, s8  }
0x9: {  	s11 =	sshrl.u32 s9, $0x1;
	s7 =	sadd.s32 s10, s7;
	s10 =	simm.s32 $0x64  }
0xa: {  	s31 =	ssub.s32 s9, s11;
	s7 =	sadd.s32 s12, s7;
	s9 =	simm.s32 $0x1A00  }
0xb: {  	s11 =	simm.s32 $0x2400;
	s12 =	simm.s32 $0x5600;
	s5 =	sadd.s32 s8, s5  }
0xc: {  	s6 =	smax.u32 s31, $0x1;
	s8 =	simm.s32 $0x1;
	s5 =	sadd.s32 $0x800, s5  }
.LBB2_1:
0xd: {  	[tilespmem:s4], [sflag:$0x1] =	stream.linear.gather [hbm4b:s5+s4], $0x1A00, $0x38;
	[tilespmem:$0x8800] =	vst v63  }
0xe: {  	_ =	swait.ge [sflag:s8], $0x1A00  }
0xf: {  	[sflag:s8] =	ssyncset.done $0x0  }
0x10: {  	[sflag:s8] =	ssyncadd.s32 $0xFFFFE600  }
0x11: {  	[tilespmem:s9], [sflag:$0x1] =	stream.linear.gather [hbm4b:s3+s4], $0xA00, $0x38;
	[tilespmem:$0x8800] =	vst v63  }
0x12: {  	_ =	swait.ge [sflag:s8], $0xA00  }
0x13: {  	[sflag:s8] =	ssyncset.done $0x0  }
0x14: {  	[sflag:s8] =	ssyncadd.s32 $0xFFFFF600  }
0x15: {  	[tilespmem:s11], [sflag:$0x1] =	stream.indirect.gather [hbm4b:s1+s10], $0x80, s4, s10, $0xb8;
	[tilespmem:$0x8800] =	vst v63  }
0x16: {  	_ =	swait.ge [sflag:s8], $0x3200  }
0x17: {  	[sflag:s8] =	ssyncset.done $0x0  }
0x18: {  	s14 =	simm.s32 $0x68;
	[sflag:s8] =	ssyncadd.s32 $0xFFFFCE00  }
0x19: {  	[tilespmem:s12], [sflag:$0x1] =	stream.indirect.gather [hbm4b:s1+s10], $0x80, s14, s10, $0xb8;
	[tilespmem:$0x8800] =	vst v63  }
0x1a: {  	_ =	swait.ge [sflag:s8], $0x3200  }
0x1b: {  	[sflag:s8] =	ssyncset.done $0x0  }
0x1c: {  	s31 =	sadd.s32 $0x0, s7;
	[sflag:s8] =	ssyncadd.s32 $0xFFFFCE00  }
0x1d: {  	[hbm4b:s31+s4] =	stream.linear.scatter [tilespmem:s9], [sflag:$0x1], $0x6E00, $0x38;
	[tilespmem:$0x8800] =	vst v63  }
0x1e: {  	_ =	swait.ge [sflag:s8], $0x6E00  }
0x1f: {  	s15 =	simm.s32 $0x0;
	s14 =	simm.s32 $0xDC0;
	[sflag:s8] =	ssyncset.done $0x0  }
.LBB2_2:
0x20: {  	p0 =	sne.s32 s14, $0x1AA40;
	[sflag:s8] =	ssyncadd.s32 $0xFFFF9200;
	s15 =	sadd.s32 $0xD0, s15  }
0x21: {  	[tilespmem:s11], [sflag:$0x1] =	stream.indirect.gather [hbm4b:s1+s10], $0x80, s15, s10, $0xb8;
	[tilespmem:$0x8800] =	vst v63  }
0x22: {  	s16 =	smov.u32 s14;
	s14 =	sadd.s32 $0xDC0, s14;
	_ =	swait.ge [sflag:s8], $0x3200  }
0x23: {  	[sflag:s8] =	ssyncset.done $0x0  }
0x24: {  	s17 =	sadd.s32 $0x68, s15;
	[sflag:s8] =	ssyncadd.s32 $0xFFFFCE00  }
0x25: {  	[tilespmem:s12], [sflag:$0x1] =	stream.indirect.gather [hbm4b:s1+s10], $0x80, s17, s10, $0xb8;
	[tilespmem:$0x8800] =	vst v63  }
0x26: {  	_ =	swait.ge [sflag:s8], $0x3200  }
.Ltmp0:
0x27: {  	[sflag:s8] =	ssyncset.done $0x0;
	(pc) =	sbr.rel @p0 .LBB2_2-.Ltmp0, $4  }
0x28: {  	s16 =	sadd.s32 s16, s7;
	[sflag:s8] =	ssyncadd.s32 $0xFFFFCE00  }
0x29: {  	[hbm4b:s16+s4] =	stream.linear.scatter [tilespmem:s9], [sflag:$0x1], $0x6E00, $0x38;
	[tilespmem:$0x8800] =	vst v63  }
0x2a: {  	_ =	swait.ge [sflag:s8], $0x6E00  }
0x2b: {  	[sflag:s8] =	ssyncset.done $0x0  }
0x2c: {  	s13 =	sadd.s32 $0x1, s13  }
0x2d: {  	p0 =	sne.s32 s13, s6  }
.Ltmp1:
0x2e: {  	_ = 	snop;
	(pc) =	sbr.rel @p0 .LBB2_1-.Ltmp1, $2  }
0x2f: {  	_ =	sdelay $0x2  }
0x30: {  	[sflag:s8] =	ssyncadd.s32 $0xFFFF9200  }
0x31: {  	_ =	sfence.sel $0x180000  }
0x32: {  	[bflag:$0x0] =	sbarrier.arrive $0xFFFF  }
0x33: {  	p0 =	sne.s32 s0, $0x0;
	_ =	strace $0x90000047  }
0x34: {  	s0 =	sadd.s32 @!p0 $0x100000, s2;
	[bflag:$0x2] =	sbarrier.arrive $0xFFFF  }
0x35: {  	[sflag:s0] =	ssyncadd.tile.s32 @!p0 $0x1;
	_ =	shalt  }
.Lfunc_end2:
_tile_overlayer_lowered:
.L_overlay_start_2:
0x36: {  	(tag) =	ssettag $0x2  }
0x37: {  	s0 =	rddreg [dreg:$0x0];
	s2 =	stileid.u32  }
0x38: {  	s1 =	rddreg [dreg:$0x1];
	p0 =	sne.s32 s2, $0x0  }
0x39: {  	s3 =	rddreg [dreg:$0x2];
	[bflag:$0x3] =	sbarrier.arrive $0xFFFF;
	s2 =	simm.s32 @!p0 $0x1C01  }
0x3a: {  	[timem:s3], [sflag:s2] =	dma.local @!p0 [hbm:s0], s1  }
0x3b: {  	s0 =	simm.s32 @!p0 $0x1  }
0x3c: {  	_ =	swait.ge @!p0 [sflag:s0], s1  }
0x3d: {  	s1 =	ssub.s32 @!p0 $0x0, s1;
	[sflag:s0] =	ssyncset.done @!p0 $0x0  }
0x3e: {  	[sflag:s0] =	ssyncadd.s32 @!p0 s1  }
0x3f: {  	[bflag:$0x3] =	sbarrier.arrive $0xFFFF  }
0x40: {  	_ =	shalt  }

// kernel: sparse-core-data-format-call.cloned.1.call-start
scs
called_computation_lowered:
.L_overlay_start_0:
0x0: {  	s2 =	sld [smem:$0x3FD9]  }
0x1: {  	s3 =	sld [smem:$0x3FFE];
	_ =	sdelay $0x1  }
0x2: {  	s1 =	srdreg.scid  }
0x3: {  	s0 =	sand.u32 $0x1, s1  }
0x4: {  	s18 =	sshll.u32 s0, $0xA;
	s2 =	sadd.s32 s3, s2  }
0x5: {  	s2 =	sadd.s32 s2, s18  }
0x6: {  	[smem:$0x3FC5] =	sst s2  }
0x7: {  	_ = 	snop  }
0x8: {  	s2 =	sld [smem:$0x3FD0];
	(tm) =	ssettm $0x1  }
0x9: {  	s19 =	sld [smem:$0x3FFB];
	_ =	sdelay $0x3  }
0xa: {  	_ =	strace s19  }
0xb: {  	s3 =	sld [smem:$0x3FFC];
	_ =	sdelay $0x3  }
0xc: {  	_ =	strace s3  }
0xd: {  	s3 =	sld [smem:$0x3FFD];
	_ =	sdelay $0x3  }
0xe: {  	_ =	strace s3  }
0xf: {  	_ =	strace $0x8FFFFFFF  }
0x10: {  	s20 =	sld [smem:$0x3FDB];
	_ =	sdelay $0x1  }
0x11: {  	s4 =	simm.s32 $_scs_section_size  }
0x12: {  	s5 =	simm.s32 $_size__tile_overlayer_lowered;
	s6 =	simm.s32 $_tile_overlayer_lowered  }
0x13: {  	s23 =	simm.s32 $0x1BFF;
	s22 =	sshll.u32 s6, $0x1;
	s3 =	sadd.s32 s4, s20  }
0x14: {  	s7 =	simm.s32 $0x0;
	s21 =	sshll.u32 s5, $0x1;
	s5 =	sadd.s32 s22, s3  }
0x15: {  	[timem:s7], [sflag:s23] =	dma.local [hbm:s5], s21  }
0x16: {  	_ =	swait.ge [sflag:s23], s21  }
0x17: {  	s4 =	ssub.s32 $0x0, s21;
	[sflag:s23] =	ssyncset.done $0x0  }
0x18: {  	[sflag:s23] =	ssyncadd.s32 s4;
	_ =	sdelay $0x1  }
0x19: {  	s24 =	simm.s32 $0x1B8B  }
0x1a: {  	_ =	swait.ge [sflag:s24], $0x1  }
0x1b: {  	[sflag:s24] =	ssyncset.done $0x0  }
0x1c: {  	s26 =	simm.s32 $0x1B8E;
	s25 =	sld [smem:$0x3FFE];
	[sflag:s24] =	ssyncadd.s32 $0xFFFFFFFF  }
0x1d: {  	s27 =	simm.s32 $execute0_lowered;
	[smem:$0x3FD2] =	sst s26  }
0x1e: {  	s5 =	sshll.u32 s27, $0x1;
	_ =	strace $0x80000049;
	[dreg:$0x1] =	wrdreg $0xFFFFFFFF  }
0x1f: {  	s28 =	simm.s32 $_size_execute0_lowered;
	s3 =	sadd.s32 s3, s5;
	[dreg:$0x0] =	wrdreg $0x0  }
0x20: {  	s5 =	sshll.u32 s28, $0x1;
	[dreg:$0x2] =	wrdreg s3  }
0x21: {  	[dreg:$0x3] =	wrdreg s5  }
0x22: {  	[dreg:$0x4] =	wrdreg $0xC0  }
0x23: {  	_ =	task [dreg:s7], $0x5FFFF  }
0x24: {  	[dreg:$0x1] =	wrdreg $0xFFFFFFFF  }
0x25: {  	[dreg:$0x0] =	wrdreg $0x60  }
0x26: {  	[dreg:$0x2] =	wrdreg s25  }
0x27: {  	[dreg:$0x3] =	wrdreg s2  }
0x28: {  	[dreg:$0x4] =	wrdreg $0x9  }
0x29: {  	_ =	task.clear_ibuf [dreg:s7], $0x5FFFF;
	_ =	strace $0x90000049  }
0x2a: {  	s29 =	simm.s32 $0x9;
	_ =	strace $0x8000004B  }
0x2b: {  	_ =	swait.ge [sflag:s29], $0x1  }
0x2c: {  	[sflag:s29] =	ssyncadd.s32 $0xFFFFFFFF  }
0x2d: {  	_ =	strace $0x9000004B  }
0x2e: {  	_ =	sfence  }
0x2f: {  	s30 =	sld [smem:$0x0];
	_ =	sdelay $0x2  }
0x30: {  	s31 =	sshll.u32 s1, $0xD;
	s1 =	sshrl.u32 s1, $0x2  }
0x31: {  	s3 =	sand.u32 $0x4000, s31;
	s1 =	sadd.s32 s1, s30  }
0x32: {  	s0 =	sor.u32 s3, s0;
	s1 =	sshll.u32 s1, $0x11  }
0x33: {  	s0 =	sor.u32 s1, s0  }
0x34: {  	s0 =	sadd.s32 $0x8F2B, s0  }
0x35: {  	[sflag:s0] =	ssyncadd.remote.s32 $0x1  }
0x36: {  	_ =	sfence.sel $0xFFFF  }
0x37: {  	[dreg:$0x0] =	wrdreg $0xFFFFFFFF;
	(pc) =	sbr.abs _section_cstart, $3  }
0x38: {  	[dreg:$0x1] =	wrdreg $0xFFFFFFFF  }
0x39: {  	_ =	task.clear_ibuf [dreg:s7], $0x2FFFF;
	_ =	strace $0x9FFFFFFF  }
0x3a: {  	(tm) =	ssettm $0x7FFFFFFF  }
0x3b: {  	_ =	shalt  }
tec
execute0_lowered:
.L_overlay_start_1:
0x0: {  	(tag) =	ssettag $0x1  }
0x1: {  	s0 =	srdreg.scid  }
0x2: {  	s1 =	sshll.u32 s0, $0x4  }
0x3: {  	s0 =	stileid.u32;
	s1 =	sand.u32 $0x10, s1  }
0x4: {  	s6 =	rddreg [dreg:$0x0];
	s1 =	sor.u32 s0, s1  }
0x5: {  	s4 =	simm.s32 $0x1;
	s7 =	simm.s32 $0x2;
	s2 =	sshll.u32 s1, $0x5  }
0x6: {  	s14 =	simm.s32 $0x0;
	s8 =	simm.s32 $0x1000;
	s1 =	ssub.s32 $0x400, s2  }
0x7: {  	s9 =	simm.s32 $0x20000;
	s10 =	simm.s32 $0x0;
	s3 =	sand.u32 $0x3E0, s1  }
0x8: {  	s15 =	simm.s32 $0x0;
	s5 =	sshrl.u32 s1, $0xA;
	p0 =	sne.s32 s3, $0x0  }
.Ltmp0:
0x9: {  	s1 =	rddreg [dreg:$0x2];
	s4 =	simm.s32 @!p0 $0x0;
	(pc) =	sbr.rel .LBB1_1-.Ltmp0, $4  }
0xa: {  	s11 =	simm.s32 $0x0;
	s3 =	rddreg [dreg:$0x1];
	s5 =	sadd.s32 s4, s5  }
0xb: {  	_ =	strace $0x8000004A;
	s4 =	simm.s32 $0x1;
	s5 =	smul.u32 $0x37, s5  }
0xc: {  	s13 =	simm.s32 $0x0;
	s6 =	sadd.s32 $0x800, s6;
	[sflag:s4] =	ssyncpa.u1 $0x0  }
0xd: {  	s12 =	smov.u32 s2;
	[sflag:s7] =	ssyncpa.u1 $0x0;
	s7 =	sadd.s32 $0x1, s5  }
.LBB1_7:
0xe: {  	s16 =	sadd.s32 $0x4, s11  }
0xf: {  	s14 =	sadd.s32 $0x400, s12;
	s18 =	smov.u32 s12;
	p1 =	sgt.s32 s16, $0xDB  }
0x10: {  	s18 =	smov.u32 @p1 s14  }
0x11: {  	s16 =	simm.s32 @p1 $0x0;
	p1 =	sgt.s32 s18, $0x3FF  }
0x12: {  	s18 =	smov.u32 @p1 s2;
	p1 =	sne.s32 s13, s7  }
.Ltmp1:
0x13: {  	p0 =	slt.u32 s13, $0x2;
	(pc) =	sbr.rel @!p1 .LBB1_8-.Ltmp1, $4  }
0x14: {  	s17 =	simm.s32 @!p0 $0x2  }
0x15: {  	s15 =	smov.u32 s12;
	s10 =	sadd.s32 $0x4000, s10;
	_ =	swait.ge @!p0 [sflag:s17], $0x4000  }
0x16: {  	s14 =	smov.u32 s11;
	[sflag:s17] =	ssyncset.done @!p0 $0x0;
	s11 =	smov.u32 s16  }
0x17: {  	s13 =	sadd.s32 $0x1, s13;
	[sflag:s17] =	ssyncadd.s32 @!p0 $0xFFFFC000;
	s12 =	smov.u32 s18  }
.LBB1_1:
0x18: {  	p0 =	sge.u32 s13, s5  }
0x19: {  	s16 =	sand.u32 @!p0 $0x1FFFFFF, s11  }
0x1a: {  	s17 =	smulhi.u32 @!p0 $0x2492493, s16;
	_ =	sdelay $0x1  }
0x1b: {  	s17 =	sshrl.u32 @!p0 s17, $0x1  }
0x1c: {  	s17 =	smul.u32 @!p0 $0xE0, s17  }
0x1d: {  	s18 =	sxor.u32 @!p0 $0xFFFFFFFF, s13;
	s19 =	smul.u32 @!p0 $0xE00, s12  }
0x1e: {  	s31 =	sadd.s32 $0xFFFFFFFF, s13;
	s18 =	sshll.u32 @!p0 s18, $0xE;
	s16 =	ssub.s32 @!p0 s16, s17  }
0x1f: {  	s17 =	sand.u32 @!p0 $0x4000, s18;
	s18 =	sadd.s32 @!p0 s6, s19;
	s16 =	sshll.u32 @!p0 s16, $0x4  }
0x20: {  	s19 =	simm.s32 @!p0 $0x7000;
	s16 =	sadd.s32 @!p0 s16, s18;
	s18 =	simm.s32 @!p0 $0x200  }
0x21: {  	[tilespmem:s17], [sflag:$0x1] =	stream.strided.gather @!p0 [hbm4b:s16+s18], $0x4000, s19, s18, $0x38;
	[tilespmem:$0x10000] =	vst v63  }
0x22: {  	p0 =	sge.u32 s31, s5  }
.Ltmp2:
0x23: {  	_ = 	snop;
	(pc) =	sbr.rel @p0 .LBB1_7-.Ltmp2, $1  }
0x24: {  	_ =	sdelay $0x3  }
0x25: {  	s17 =	sand.u32 $0x4000, s10  }
0x26: {  	_ =	swait.ge [sflag:s4], $0x4000;
	s19 =	sshll.u32 s13, $0xE;
	s16 =	sor.u32 $0x8040, s17  }
0x27: {  	s18 =	sor.u32 $0x40, s17;
	[sflag:s4] =	ssyncset.done $0x0;
	s31 =	sand.u32 $0x4000, s19  }
0x28: {  	s19 =	simm.s32 $0x0;
	[sflag:s4] =	ssyncadd.s32 $0xFFFFC000;
	s17 =	sor.u32 $0x8000, s31  }
.LBB1_3:
0x29: {  	v0 =	vmov s18;
	_ =	sdelay $0x3  }
0x2a: {  	s21 =	simm.s32 $0x0  }
0x2b: {  	v6 =	vld.idx.msk [tilespmem:v0+s21+$0x30 ss:$0x1], $0xffff  }
0x2c: {  	v7 =	vld.idx.msk [tilespmem:v0+s21+$0xFFFFFFC0 ss:$0x1], $0xffff  }
0x2d: {  	v5 =	vld.idx.msk [tilespmem:v0+s21+$0xFFFFFFD0 ss:$0x1], $0xffff  }
0x2e: {  	v4 =	vld.idx.msk [tilespmem:v0+s21+$0xFFFFFFE0 ss:$0x1], $0xffff  }
0x2f: {  	v3 =	vld.idx.msk [tilespmem:v0+s21+$0xFFFFFFF0 ss:$0x1], $0xffff  }
0x30: {  	v1 =	vld.idx.msk [tilespmem:v0+s21+$0x0 ss:$0x1], $0xffff  }
0x31: {  	v2 =	vld.idx.msk [tilespmem:v0+s21+$0x10 ss:$0x1], $0xffff;
	[tilespmem:s16+$0x30] =	vst v6  }
0x32: {  	s20 =	simm.s32 $0x80;
	s22 =	simm.s32 $0x400;
	[tilespmem:s16+$0xFFFFFFC0] =	vst v7;
	v6 =	vld.idx.msk [tilespmem:v0+s21+$0x20 ss:$0x1], $0xffff;
	s21 =	smov.u32 s16  }
.LBB1_4:
0x33: {  	p0 =	sne.s32 s22, $0x600;
	v7 =	vld.idx.msk [tilespmem:v0+s20+$0x30 ss:$0x1], $0xffff;
	[tilespmem:s21+$0xFFFFFFD0] =	vst v5  }
0x34: {  	v8 =	vld.idx.msk [tilespmem:v0+s20+$0xFFFFFFC0 ss:$0x1], $0xffff;
	[tilespmem:s21+$0xFFFFFFE0] =	vst v4  }
0x35: {  	v5 =	vld.idx.msk [tilespmem:v0+s20+$0xFFFFFFD0 ss:$0x1], $0xffff;
	[tilespmem:s21+$0xFFFFFFF0] =	vst v3  }
.Ltmp3:
0x36: {  	v4 =	vld.idx.msk [tilespmem:v0+s20+$0xFFFFFFE0 ss:$0x1], $0xffff;
	[tilespmem:s21+$0x0] =	vst v1;
	(pc) =	sbr.rel @p0 .LBB1_4-.Ltmp3, $4  }
0x37: {  	v3 =	vld.idx.msk [tilespmem:v0+s20+$0xFFFFFFF0 ss:$0x1], $0xffff;
	[tilespmem:s21+$0x10] =	vst v2  }
0x38: {  	v1 =	vld.idx.msk [tilespmem:v0+s20+$0x0 ss:$0x1], $0xffff;
	[tilespmem:s21+$0x20] =	vst v6;
	s21 =	sadd.s32 $0x1000, s21  }
0x39: {  	v2 =	vld.idx.msk [tilespmem:v0+s20+$0x10 ss:$0x1], $0xffff;
	[tilespmem:s21+$0x30] =	vst v7  }
0x3a: {  	[tilespmem:s21+$0xFFFFFFC0] =	vst v8;
	v6 =	vld.idx.msk [tilespmem:v0+s20+$0x20 ss:$0x1], $0xffff;
	s20 =	sshra.s32 s22, $0x2;
	s22 =	sadd.s32 $0x200, s22  }
0x3b: {  	_ =	sdelay $0x2  }
0x3c: {  	[tilespmem:s21+$0xFFFFFFD0] =	vst v5  }
0x3d: {  	v56 =	vld.idx.msk [tilespmem:v0+s20+$0x30 ss:$0x1], $0xffff;
	[tilespmem:s21+$0xFFFFFFE0] =	vst v4  }
0x3e: {  	v57 =	vld.idx.msk [tilespmem:v0+s20+$0xFFFFFFC0 ss:$0x1], $0xffff;
	[tilespmem:s21+$0xFFFFFFF0] =	vst v3  }
0x3f: {  	v58 =	vld.idx.msk [tilespmem:v0+s20+$0xFFFFFFD0 ss:$0x1], $0xffff;
	[tilespmem:s21+$0x0] =	vst v1  }
0x40: {  	v59 =	vld.idx.msk [tilespmem:v0+s20+$0xFFFFFFE0 ss:$0x1], $0xffff;
	[tilespmem:s21+$0x10] =	vst v2  }
0x41: {  	v60 =	vld.idx.msk [tilespmem:v0+s20+$0xFFFFFFF0 ss:$0x1], $0xffff;
	s31 =	sadd.s32 $0x1000, s21;
	[tilespmem:s21+$0x20] =	vst v6  }
0x42: {  	v61 =	vld.idx.msk [tilespmem:v0+s20+$0x0 ss:$0x1], $0xffff;
	[tilespmem:s31+$0x30] =	vst v56  }
0x43: {  	v62 =	vld.idx.msk [tilespmem:v0+s20+$0x10 ss:$0x1], $0xffff;
	s19 =	sadd.s32 $0x1, s19;
	[tilespmem:s31+$0xFFFFFFC0] =	vst v57  }
0x44: {  	v63 =	vld.idx.msk [tilespmem:v0+s20+$0x20 ss:$0x1], $0xffff;
	p0 =	sne.s32 s19, $0x20;
	[tilespmem:s31+$0xFFFFFFD0] =	vst v58  }
.Ltmp4:
0x45: {  	[tilespmem:s31+$0xFFFFFFE0] =	vst v59;
	(pc) =	sbr.rel @p0 .LBB1_3-.Ltmp4, $4  }
0x46: {  	[tilespmem:s31+$0xFFFFFFF0] =	vst v60  }
0x47: {  	[tilespmem:s31+$0x0] =	vst v61  }
0x48: {  	[tilespmem:s31+$0x10] =	vst v62  }
0x49: {  	s16 =	sadd.s32 $0x80, s16;
	s18 =	sadd.s32 $0x200, s18;
	[tilespmem:s31+$0x20] =	vst v63  }
.Ltmp5:
0x4a: {  	s15 =	sshll.u32 s15, $0x4;
	(pc) =	sbr.rel .LBB1_7-.Ltmp5, $4  }
0x4b: {  	s15 =	sand.u32 $0x3FF0, s15  }
0x4c: {  	s14 =	sshll.u32 s14, $0xE;
	s15 =	sadd.s32 s3, s15  }
0x4d: {  	s14 =	sadd.s32 s14, s15  }
0x4e: {  	[hbm4b:s14+s8] =	stream.strided.scatter [tilespmem:s17], [sflag:$0x2], $0x4000, s9, s8, $0x38;
	[tilespmem:$0x10000] =	vst v63  }
.LBB1_8:
0x4f: {  	_ =	sfence.sel $0x180000  }
0x50: {  	s2 =	simm.s32 $0x1;
	[bflag:$0x0] =	sbarrier.arrive $0xFFFF  }
0x51: {  	s31 =	simm.s32 $0x2;
	[sflag:s2] =	ssyncpa.u1 $0x1  }
0x52: {  	[sflag:s31] =	ssyncpa.u1 $0x1  }
0x53: {  	p0 =	sne.s32 s0, $0x0;
	_ =	strace $0x9000004A  }
0x54: {  	s0 =	sadd.s32 @!p0 $0x100000, s1;
	[bflag:$0x2] =	sbarrier.arrive $0xFFFF  }
0x55: {  	[sflag:s0] =	ssyncadd.tile.s32 @!p0 $0x1;
	_ =	shalt  }
.Lfunc_end1:
_tile_overlayer_lowered:
.L_overlay_start_2:
0x56: {  	(tag) =	ssettag $0x2  }
0x57: {  	s0 =	rddreg [dreg:$0x0];
	s2 =	stileid.u32  }
0x58: {  	s1 =	rddreg [dreg:$0x1];
	p0 =	sne.s32 s2, $0x0  }
0x59: {  	s3 =	rddreg [dreg:$0x2];
	[bflag:$0x3] =	sbarrier.arrive $0xFFFF;
	s2 =	simm.s32 @!p0 $0x1C01  }
0x5a: {  	[timem:s3], [sflag:s2] =	dma.local @!p0 [hbm:s0], s1  }
0x5b: {  	s0 =	simm.s32 @!p0 $0x1  }
0x5c: {  	_ =	swait.ge @!p0 [sflag:s0], s1  }
0x5d: {  	s1 =	ssub.s32 @!p0 $0x0, s1;
	[sflag:s0] =	ssyncset.done @!p0 $0x0  }
0x5e: {  	[sflag:s0] =	ssyncadd.s32 @!p0 s1  }
0x5f: {  	[bflag:$0x3] =	sbarrier.arrive $0xFFFF  }
0x60: {  	_ =	shalt  }

</sc_bundles>
